<compile_context>
chip_gen: v7x
topology: tpu7x:2x2x1
jax: 0.10.2.dev20260603
libtpu: 0.0.44.dev20260713+nightly
codegen_flags: <defaults>
</compile_context>

<pallas_src>
import jax
import jax.numpy as jnp
from jax.experimental import pallas as pl
from jax.experimental.pallas import tpu as pltpu

N = 20000
K = 2000
KPAD = 2048
BLK = 128
NBLK = KPAD // BLK
MAXOUT = 500
OUTPAD = 512
THR2 = 1.0
HALF_IMG = 256.0
_HIGH = jax.lax.Precision.HIGHEST


def _nms_body(scores_row_ref, scores_col_ref, boxes_ref, boxesT_ref, out_ref,
              cxr, cyr, cxc, cyc, s_row_ref, s_col_ref, keep_ref):
    f32 = jnp.float32
    cxr[...] = (boxesT_ref[0:1, :] + boxesT_ref[2:3, :]) * HALF_IMG
    cyr[...] = (boxesT_ref[1:2, :] + boxesT_ref[3:4, :]) * HALF_IMG
    cxc[...] = (boxes_ref[:, 0:1] + boxes_ref[:, 2:3]) * HALF_IMG
    cyc[...] = (boxes_ref[:, 1:2] + boxes_ref[:, 3:4]) * HALF_IMG

    lane = jax.lax.broadcasted_iota(jnp.int32, (1, KPAD), 1)
    s0_row = jnp.where(lane >= K, 1.0, 0.0).astype(f32)
    s_row_ref[...] = s0_row
    lane_c = jax.lax.broadcasted_iota(jnp.int32, (KPAD, 1), 0)
    s_col_ref[...] = jnp.where(lane_c >= K, 1.0, 0.0).astype(f32)
    keep_ref[...] = jnp.zeros((1, KPAD), f32)

    ir = jax.lax.broadcasted_iota(jnp.int32, (BLK, BLK), 0)
    ic = jax.lax.broadcasted_iota(jnp.int32, (BLK, BLK), 1)
    upper = (ir < ic).astype(f32)
    lower = (ic < ir).astype(f32)

    def block_step(k, _):
        total = jnp.sum(keep_ref[...])

        @pl.when(total < MAXOUT)
        def _():
            base = pl.multiple_of(k * BLK, BLK)
            bcx = cxc[pl.ds(base, BLK), :]
            bcy = cyc[pl.ds(base, BLK), :]
            rcx = cxr[:, pl.ds(base, BLK)]
            rcy = cyr[:, pl.ds(base, BLK)]
            d2b = (bcx - rcx) ** 2 + (bcy - rcy) ** 2
            csym = (d2b < THR2).astype(f32)
            cu = csym * upper
            cl = csym * lower
            se_row = s_row_ref[:, pl.ds(base, BLK)]
            se_col = s_col_ref[pl.ds(base, BLK), :]

            def cond(c):
                _, _, it, changed = c
                return jnp.logical_and(it < BLK + 4, changed)

            def body(c):
                sr, sc, it, _ = c
                alive_r = 1.0 - sr
                ncol = jnp.max(cl * alive_r, axis=1, keepdims=True)
                sc2 = jnp.maximum(se_col, ncol)
                alive_c = 1.0 - sc2
                nrow = jnp.max(cu * alive_c, axis=0, keepdims=True)
                sr2 = jnp.maximum(se_row, nrow)
                ch = jnp.logical_or(jnp.any(sr2 != sr), jnp.any(sc2 != sc))
                return sr2, sc2, it + 1, ch

            sr_f, sc_f, _, _ = jax.lax.while_loop(
                cond, body, (se_row, se_col, 0, jnp.bool_(True)))
            keep_blk = 1.0 - sr_f
            keep_ref[:, pl.ds(base, BLK)] = keep_blk
            alive_c = 1.0 - sc_f

            d2r = (bcx - cxr[...]) ** 2 + (bcy - cyr[...]) ** 2
            hit_r = jnp.max((d2r < THR2).astype(f32) * alive_c,
                            axis=0, keepdims=True)
            s_row_ref[...] = jnp.maximum(s_row_ref[...], hit_r)
            d2c = (cxc[...] - rcx) ** 2 + (cyc[...] - rcy) ** 2
            kr = keep_blk
            hit_c = jnp.max((d2c < THR2).astype(f32) * kr,
                            axis=1, keepdims=True)
            s_col_ref[...] = jnp.maximum(s_col_ref[...], hit_c)
        return 0

    jax.lax.fori_loop(0, NBLK, block_step, 0)

    keep_row = keep_ref[...]
    jr = jax.lax.broadcasted_iota(jnp.int32, (KPAD, KPAD), 0)
    jc = jax.lax.broadcasted_iota(jnp.int32, (KPAD, KPAD), 1)
    ltri = (jr < jc).astype(f32)
    rank = jax.lax.dot_general(keep_row, ltri, (((1,), (0,)), ((), ())),
                               precision=_HIGH,
                               preferred_element_type=f32)
    out_iota = jax.lax.broadcasted_iota(jnp.int32, (OUTPAD, 1), 0).astype(f32)
    q = jnp.where(jnp.logical_and(rank == out_iota, keep_row > 0.5),
                  1.0, 0.0).astype(f32)
    data = jnp.concatenate([boxes_ref[...], scores_col_ref[...]],
                           axis=1)
    out = jax.lax.dot_general(q, data, (((1,), (0,)), ((), ())),
                              precision=_HIGH,
                              preferred_element_type=f32)
    total = jnp.sum(keep_row)
    row0 = out[0:1, :]
    pad_mask = (out_iota >= total).astype(f32)
    out = out + pad_mask * row0
    out_ref[...] = out[:MAXOUT, :]


def kernel(boxes, scores):
    iota = jnp.arange(N, dtype=jnp.int32)
    neg_sorted, idx_sorted = jax.lax.sort_key_val(-scores, iota, is_stable=True)
    topk_scores = -neg_sorted[:K]
    topk_idx = idx_sorted[:K]
    sel_boxes = jnp.take(boxes, topk_idx, axis=0)

    pad = KPAD - K
    ps = jnp.concatenate([topk_scores, jnp.full((pad,), -1.0, jnp.float32)])
    pb = jnp.concatenate(
        [sel_boxes, jnp.full((pad, 4), 1e6, jnp.float32)], axis=0)

    scores_row = ps[None, :]
    scores_col = ps[:, None]
    boxesT = pb.T

    return pl.pallas_call(
        _nms_body,
        out_shape=jax.ShapeDtypeStruct((MAXOUT, 5), jnp.float32),
        scratch_shapes=[
            pltpu.VMEM((1, KPAD), jnp.float32),
            pltpu.VMEM((1, KPAD), jnp.float32),
            pltpu.VMEM((KPAD, 1), jnp.float32),
            pltpu.VMEM((KPAD, 1), jnp.float32),
            pltpu.VMEM((1, KPAD), jnp.float32),
            pltpu.VMEM((KPAD, 1), jnp.float32),
            pltpu.VMEM((1, KPAD), jnp.float32),
        ],
    )(scores_row, scores_col, pb, boxesT)

# --- scband reference (transcript-rebuilt; emitter-appended) ---
"""Pipeline reference for scband-lacss-model-47966194762317 (READ-ONLY COPY).

The authoritative reference and input builder live on the scoring server;
editing this copy changes nothing except your own understanding.
"""

import jax, jax.numpy as jnp
import numpy as np

N = 20000
PRE_NMS_TOPK = 2000
MAX_OUTPUT = 500
NMS_DIST_THRESHOLD = 1.0
IMG_SIZE = 512.0


def setup_inputs(seed: int = 0) -> dict:
    key = jax.random.key(seed)
    k1, k2 = jax.random.split(key)
    boxes = jax.random.uniform(k1, (N, 4), dtype=jnp.float32)
    scores = jax.random.uniform(k2, (N,), dtype=jnp.float32)
    return {"boxes": boxes, "scores": scores}


def reference(boxes, scores):
    # Core of LacssModel.proposal_locations: pre-NMS top-k on detection scores,
    # decode proposal locations to image coordinates, then greedy distance-based
    # non-maximum suppression (detection_nms_threshold is a center-distance threshold).
    topk_scores, topk_idx = jax.lax.top_k(scores, PRE_NMS_TOPK)
    sel_boxes = jnp.take(boxes, topk_idx, axis=0)
    # decode centers (pred_locations) in pixel coordinates [height, width] scaling
    centers = (sel_boxes[:, :2] + sel_boxes[:, 2:]) * 0.5 * IMG_SIZE
    thr2 = NMS_DIST_THRESHOLD * NMS_DIST_THRESHOLD

    def step(suppressed, _):
        valid = jnp.where(suppressed, -jnp.inf, topk_scores)
        idx = jnp.argmax(valid)
        c = centers[idx]
        d2 = jnp.sum((centers - c[None, :]) ** 2, axis=-1)
        sup = d2 < thr2
        new_suppressed = jnp.logical_or(suppressed, sup)
        new_suppressed = new_suppressed.at[idx].set(True)
        out_score = topk_scores[idx]
        out_box = sel_boxes[idx]
        return new_suppressed, (out_score, out_box)

    init = jnp.zeros((PRE_NMS_TOPK,), dtype=bool)
    _, (out_scores, out_boxes) = jax.lax.scan(step, init, None, length=MAX_OUTPUT)
    # [max_output, 5]: selected boxes + their scores
    return jnp.concatenate([out_boxes, out_scores[:, None]], axis=1)

if __name__ == "__main__":
    import jax
    _d = setup_inputs()
    print(jax.jit(kernel)(*tuple(_d.values())))

</pallas_src>

<mosaic_0001>
module attributes {stable_mosaic.version = 14 : i64} {
  func.func @_nms_body(%arg0: memref<1x2048xf32, #tpu.memory_space<vmem>>, %arg1: memref<2048x1xf32, #tpu.memory_space<vmem>>, %arg2: memref<2048x4xf32, #tpu.memory_space<vmem>>, %arg3: memref<4x2048xf32, #tpu.memory_space<vmem>>, %arg4: memref<500x5xf32, #tpu.memory_space<vmem>>, %arg5: memref<1x2048xf32, #tpu.memory_space<vmem>>, %arg6: memref<1x2048xf32, #tpu.memory_space<vmem>>, %arg7: memref<2048x1xf32, #tpu.memory_space<vmem>>, %arg8: memref<2048x1xf32, #tpu.memory_space<vmem>>, %arg9: memref<1x2048xf32, #tpu.memory_space<vmem>>, %arg10: memref<2048x1xf32, #tpu.memory_space<vmem>>, %arg11: memref<1x2048xf32, #tpu.memory_space<vmem>>) attributes {dimension_semantics = [], scalar_prefetch = 0 : i64, scratch_operands = 7 : i64, tpu.core_type = #tpu.core_type<tc>} {
    %get3A = arith.constant 0 : index
    %get3A_0 = arith.constant 0 : index
    %get3A_1 = vector.load %arg3[%get3A, %get3A_0] : memref<4x2048xf32, #tpu.memory_space<vmem>>, vector<1x2048xf32>
    %get3A_2 = arith.constant 2 : index
    %get3A_3 = arith.constant 0 : index
    %get3A_4 = vector.load %arg3[%get3A_2, %get3A_3] : memref<4x2048xf32, #tpu.memory_space<vmem>>, vector<1x2048xf32>
    %add3A = arith.addf %get3A_1, %get3A_4 : vector<1x2048xf32>
    %mul3A = arith.constant 2.560000e+02 : f32
    %mul3A_5 = vector.broadcast %mul3A : f32 to vector<1x2048xf32>
    %mul3A_6 = arith.mulf %add3A, %mul3A_5 : vector<1x2048xf32>
    %swap3A = arith.constant 0 : index
    %swap3A_7 = arith.constant 0 : index
    %swap3A_8 = vector.load %arg5[%swap3A, %swap3A_7] : memref<1x2048xf32, #tpu.memory_space<vmem>>, vector<1x2048xf32>
    tpu.vector_store %arg5[%swap3A, %swap3A_7], %mul3A_6 {strides = array<i32>} : memref<1x2048xf32, #tpu.memory_space<vmem>>, vector<1x2048xf32>,
    %get3A_9 = arith.constant 1 : index
    %get3A_10 = arith.constant 0 : index
    %get3A_11 = vector.load %arg3[%get3A_9, %get3A_10] : memref<4x2048xf32, #tpu.memory_space<vmem>>, vector<1x2048xf32>
    %get3A_12 = arith.constant 3 : index
    %get3A_13 = arith.constant 0 : index
    %get3A_14 = vector.load %arg3[%get3A_12, %get3A_13] : memref<4x2048xf32, #tpu.memory_space<vmem>>, vector<1x2048xf32>
    %add3A_15 = arith.addf %get3A_11, %get3A_14 : vector<1x2048xf32>
    %mul3A_16 = arith.constant 2.560000e+02 : f32
    %mul3A_17 = vector.broadcast %mul3A_16 : f32 to vector<1x2048xf32>
    %mul3A_18 = arith.mulf %add3A_15, %mul3A_17 : vector<1x2048xf32>
    %swap3A_19 = arith.constant 0 : index
    %swap3A_20 = arith.constant 0 : index
    %swap3A_21 = vector.load %arg6[%swap3A_19, %swap3A_20] : memref<1x2048xf32, #tpu.memory_space<vmem>>, vector<1x2048xf32>
    tpu.vector_store %arg6[%swap3A_19, %swap3A_20], %mul3A_18 {strides = array<i32>} : memref<1x2048xf32, #tpu.memory_space<vmem>>, vector<1x2048xf32>,
    %get3A_22 = arith.constant 0 : index
    %get3A_23 = arith.constant 0 : index
    %get3A_24 = vector.load %arg2[%get3A_22, %get3A_23] : memref<2048x4xf32, #tpu.memory_space<vmem>>, vector<2048x1xf32>
    %get3A_25 = arith.constant 0 : index
    %get3A_26 = arith.constant 2 : index
    %get3A_27 = vector.load %arg2[%get3A_25, %get3A_26] : memref<2048x4xf32, #tpu.memory_space<vmem>>, vector<2048x1xf32>
    %add3A_28 = arith.addf %get3A_24, %get3A_27 : vector<2048x1xf32>
    %mul3A_29 = arith.constant 2.560000e+02 : f32
    %mul3A_30 = vector.broadcast %mul3A_29 : f32 to vector<2048x1xf32>
    %mul3A_31 = arith.mulf %add3A_28, %mul3A_30 : vector<2048x1xf32>
    %swap3A_32 = arith.constant 0 : index
    %swap3A_33 = arith.constant 0 : index
    %swap3A_34 = vector.load %arg7[%swap3A_32, %swap3A_33] : memref<2048x1xf32, #tpu.memory_space<vmem>>, vector<2048x1xf32>
    tpu.vector_store %arg7[%swap3A_32, %swap3A_33], %mul3A_31 {strides = array<i32>} : memref<2048x1xf32, #tpu.memory_space<vmem>>, vector<2048x1xf32>,
    %get3A_35 = arith.constant 0 : index
    %get3A_36 = arith.constant 1 : index
    %get3A_37 = vector.load %arg2[%get3A_35, %get3A_36] : memref<2048x4xf32, #tpu.memory_space<vmem>>, vector<2048x1xf32>
    %get3A_38 = arith.constant 0 : index
    %get3A_39 = arith.constant 3 : index
    %get3A_40 = vector.load %arg2[%get3A_38, %get3A_39] : memref<2048x4xf32, #tpu.memory_space<vmem>>, vector<2048x1xf32>
    %add3A_41 = arith.addf %get3A_37, %get3A_40 : vector<2048x1xf32>
    %mul3A_42 = arith.constant 2.560000e+02 : f32
    %mul3A_43 = vector.broadcast %mul3A_42 : f32 to vector<2048x1xf32>
    %mul3A_44 = arith.mulf %add3A_41, %mul3A_43 : vector<2048x1xf32>
    %swap3A_45 = arith.constant 0 : index
    %swap3A_46 = arith.constant 0 : index
    %swap3A_47 = vector.load %arg8[%swap3A_45, %swap3A_46] : memref<2048x1xf32, #tpu.memory_space<vmem>>, vector<2048x1xf32>
    tpu.vector_store %arg8[%swap3A_45, %swap3A_46], %mul3A_44 {strides = array<i32>} : memref<2048x1xf32, #tpu.memory_space<vmem>>, vector<2048x1xf32>,
    %iota3A = tpu.iota {dimensions = array<i32: 1>} : vector<1x2048xi32>
    %ge3A = arith.constant 2000 : i32
    %ge3A_48 = vector.broadcast %ge3A : i32 to vector<1x2048xi32>
    %ge3A_49 = arith.cmpi sge, %iota3A, %ge3A_48 : vector<1x2048xi32>
    %jit3A = arith.constant 1.000000e+00 : f32
    %jit3A_50 = arith.constant 0.000000e+00 : f32
    %broadcast_in_dim3A = vector.broadcast %jit3A : f32 to vector<1x2048xf32>
    %broadcast_in_dim3A_51 = vector.broadcast %jit3A_50 : f32 to vector<1x2048xf32>
    %select_n3A = arith.select %ge3A_49, %broadcast_in_dim3A, %broadcast_in_dim3A_51 : vector<1x2048xi1>, vector<1x2048xf32>
    %swap3A_52 = arith.constant 0 : index
    %swap3A_53 = arith.constant 0 : index
    %swap3A_54 = vector.load %arg9[%swap3A_52, %swap3A_53] : memref<1x2048xf32, #tpu.memory_space<vmem>>, vector<1x2048xf32>
    tpu.vector_store %arg9[%swap3A_52, %swap3A_53], %select_n3A {strides = array<i32>} : memref<1x2048xf32, #tpu.memory_space<vmem>>, vector<1x2048xf32>,
    %iota3A_55 = tpu.iota {dimensions = array<i32: 0>} : vector<2048x1xi32>
    %ge3A_56 = arith.constant 2000 : i32
    %ge3A_57 = vector.broadcast %ge3A_56 : i32 to vector<2048x1xi32>
    %ge3A_58 = arith.cmpi sge, %iota3A_55, %ge3A_57 : vector<2048x1xi32>
    %jit3A_59 = arith.constant 1.000000e+00 : f32
    %jit3A_60 = arith.constant 0.000000e+00 : f32
    %broadcast_in_dim3A_61 = vector.broadcast %jit3A_59 : f32 to vector<2048x1xf32>
    %broadcast_in_dim3A_62 = vector.broadcast %jit3A_60 : f32 to vector<2048x1xf32>
    %select_n3A_63 = arith.select %ge3A_58, %broadcast_in_dim3A_61, %broadcast_in_dim3A_62 : vector<2048x1xi1>, vector<2048x1xf32>
    %swap3A_64 = arith.constant 0 : index
    %swap3A_65 = arith.constant 0 : index
    %swap3A_66 = vector.load %arg10[%swap3A_64, %swap3A_65] : memref<2048x1xf32, #tpu.memory_space<vmem>>, vector<2048x1xf32>
    tpu.vector_store %arg10[%swap3A_64, %swap3A_65], %select_n3A_63 {strides = array<i32>} : memref<2048x1xf32, #tpu.memory_space<vmem>>, vector<2048x1xf32>,
    %broadcast_in_dim3A_67 = arith.constant 0.000000e+00 : f32
    %broadcast_in_dim3A_68 = vector.broadcast %broadcast_in_dim3A_67 : f32 to vector<1x2048xf32>
    %swap3A_69 = arith.constant 0 : index
    %swap3A_70 = arith.constant 0 : index
    %swap3A_71 = vector.load %arg11[%swap3A_69, %swap3A_70] : memref<1x2048xf32, #tpu.memory_space<vmem>>, vector<1x2048xf32>
    tpu.vector_store %arg11[%swap3A_69, %swap3A_70], %broadcast_in_dim3A_68 {strides = array<i32>} : memref<1x2048xf32, #tpu.memory_space<vmem>>, vector<1x2048xf32>,
    %iota3A_72 = tpu.iota {dimensions = array<i32: 0>} : vector<128x128xi32>
    %iota3A_73 = tpu.iota {dimensions = array<i32: 1>} : vector<128x128xi32>
    %lt3A = arith.cmpi slt, %iota3A_72, %iota3A_73 : vector<128x128xi32>
    %convert_element_type3A = arith.extui %lt3A : vector<128x128xi1> to vector<128x128xi32>
    %convert_element_type3A_74 = arith.sitofp %convert_element_type3A : vector<128x128xi32> to vector<128x128xf32>
    %lt3A_75 = arith.cmpi slt, %iota3A_73, %iota3A_72 : vector<128x128xi32>
    %convert_element_type3A_76 = arith.extui %lt3A_75 : vector<128x128xi1> to vector<128x128xi32>
    %convert_element_type3A_77 = arith.sitofp %convert_element_type3A_76 : vector<128x128xi32> to vector<128x128xf32>
    %scan3A = arith.constant 0 : i32
    %scan3A_78 = arith.constant 16 : i32
    %scan3A_79 = arith.addi %scan3A, %scan3A_78 : i32
    %scan3A_80 = arith.constant 1 : i32
    scf.for %scan3A_127 = %scan3A to %scan3A_79 step %scan3A_80  : i32 {
      %get3A_128 = arith.constant 0 : index
      %get3A_129 = arith.constant 0 : index
      %get3A_130 = vector.load %arg11[%get3A_128, %get3A_129] : memref<1x2048xf32, #tpu.memory_space<vmem>>, vector<1x2048xf32>
      %reduce_sum3A_131 = vector.shape_cast %get3A_130 : vector<1x2048xf32> to vector<1x1x2048xf32>
      %reduce_sum3A_132 = arith.constant dense<0.000000e+00> : vector<1xf32>
      %reduce_sum3A_133 = vector.multi_reduction <add>, %reduce_sum3A_131, %reduce_sum3A_132 [1, 2] : vector<1x1x2048xf32> to vector<1xf32>
      %reduce_sum3A_134 = vector.shape_cast %reduce_sum3A_133 : vector<1xf32> to vector<1x1x1xf32>
      %reduce_sum3A_135 = vector.extract %reduce_sum3A_134[0, 0, 0] : f32 from vector<1x1x1xf32>
      %lt3A_136 = arith.constant 5.000000e+02 : f32
      %lt3A_137 = arith.cmpf olt, %reduce_sum3A_135, %lt3A_136 : f32
      %convert_element_type3A_138 = arith.extui %lt3A_137 : i1 to i32
      %cond3A = arith.constant 0 : i32
      %cond3A_139 = arith.cmpi ne, %convert_element_type3A_138, %cond3A : i32
      scf.if %cond3A_139 {
        %mul3A_140 = arith.constant 128 : i32
        %mul3A_141 = arith.muli %scan3A_127, %mul3A_140 : i32
        %multiple_of3A = tpu.assume_multiple %mul3A_141, 128 : i32
        %get3A_142 = arith.index_cast %multiple_of3A : i32 to index
        %get3A_143 = arith.constant 0 : index
        %get3A_144 = vector.load %arg7[%get3A_142, %get3A_143] : memref<2048x1xf32, #tpu.memory_space<vmem>>, vector<128x1xf32>
        %get3A_145 = arith.index_cast %multiple_of3A : i32 to index
        %get3A_146 = arith.constant 0 : index
        %get3A_147 = vector.load %arg8[%get3A_145, %get3A_146] : memref<2048x1xf32, #tpu.memory_space<vmem>>, vector<128x1xf32>
        %get3A_148 = arith.constant 0 : index
        %get3A_149 = arith.index_cast %multiple_of3A : i32 to index
        %get3A_150 = vector.load %arg5[%get3A_148, %get3A_149] : memref<1x2048xf32, #tpu.memory_space<vmem>>, vector<1x128xf32>
        %get3A_151 = arith.constant 0 : index
        %get3A_152 = arith.index_cast %multiple_of3A : i32 to index
        %get3A_153 = vector.load %arg6[%get3A_151, %get3A_152] : memref<1x2048xf32, #tpu.memory_space<vmem>>, vector<1x128xf32>
        %sub3A = vector.broadcast %get3A_144 : vector<128x1xf32> to vector<128x128xf32>
        %sub3A_154 = vector.broadcast %get3A_150 : vector<1x128xf32> to vector<128x128xf32>
        %sub3A_155 = arith.subf %sub3A, %sub3A_154 : vector<128x128xf32>
        %integer_pow3A = arith.mulf %sub3A_155, %sub3A_155 : vector<128x128xf32>
        %sub3A_156 = vector.broadcast %get3A_147 : vector<128x1xf32> to vector<128x128xf32>
        %sub3A_157 = vector.broadcast %get3A_153 : vector<1x128xf32> to vector<128x128xf32>
        %sub3A_158 = arith.subf %sub3A_156, %sub3A_157 : vector<128x128xf32>
        %integer_pow3A_159 = arith.mulf %sub3A_158, %sub3A_158 : vector<128x128xf32>
        %add3A_160 = arith.addf %integer_pow3A, %integer_pow3A_159 : vector<128x128xf32>
        %lt3A_161 = arith.constant 1.000000e+00 : f32
        %lt3A_162 = vector.broadcast %lt3A_161 : f32 to vector<128x128xf32>
        %lt3A_163 = arith.cmpf olt, %add3A_160, %lt3A_162 : vector<128x128xf32>
        %convert_element_type3A_164 = arith.extui %lt3A_163 : vector<128x128xi1> to vector<128x128xi32>
        %convert_element_type3A_165 = arith.sitofp %convert_element_type3A_164 : vector<128x128xi32> to vector<128x128xf32>
        %mul3A_166 = arith.mulf %convert_element_type3A_165, %convert_element_type3A_74 : vector<128x128xf32>
        %mul3A_167 = arith.mulf %convert_element_type3A_165, %convert_element_type3A_77 : vector<128x128xf32>
        %get3A_168 = arith.constant 0 : index
        %get3A_169 = arith.index_cast %multiple_of3A : i32 to index
        %get3A_170 = vector.load %arg9[%get3A_168, %get3A_169] : memref<1x2048xf32, #tpu.memory_space<vmem>>, vector<1x128xf32>
        %get3A_171 = arith.index_cast %multiple_of3A : i32 to index
        %get3A_172 = arith.constant 0 : index
        %get3A_173 = vector.load %arg10[%get3A_171, %get3A_172] : memref<2048x1xf32, #tpu.memory_space<vmem>>, vector<128x1xf32>
        %while3A = arith.constant 0 : i32
        %while3A_174 = arith.constant true
        %while3A_175:4 = scf.while (%while3A_247 = %get3A_170, %while3A_248 = %get3A_173, %while3A_249 = %while3A, %while3A_250 = %while3A_174) : (vector<1x128xf32>, vector<128x1xf32>, i32, i1) -> (vector<1x128xf32>, vector<128x1xf32>, i32, i1) {
          %lt3A_251 = arith.constant 132 : i32
          %lt3A_252 = arith.cmpi slt, %while3A_249, %lt3A_251 : i32
          %and3A_253 = arith.andi %lt3A_252, %while3A_250 : i1
          scf.condition(%and3A_253) %while3A_247, %while3A_248, %while3A_249, %while3A_250 : vector<1x128xf32>, vector<128x1xf32>, i32, i1
        } do {
        ^bb0(%while3A_247: vector<1x128xf32>, %while3A_248: vector<128x1xf32>, %while3A_249: i32, %while3A_250: i1):
          %sub3A_251 = arith.constant 1.000000e+00 : f32
          %sub3A_252 = vector.broadcast %sub3A_251 : f32 to vector<1x128xf32>
          %sub3A_253 = arith.subf %sub3A_252, %while3A_247 : vector<1x128xf32>
          %mul3A_254 = vector.broadcast %sub3A_253 : vector<1x128xf32> to vector<128x128xf32>
          %mul3A_255 = arith.mulf %mul3A_167, %mul3A_254 : vector<128x128xf32>
          %reduce_max3A_256 = arith.constant dense<0xFF800000> : vector<128xf32>
          %reduce_max3A_257 = vector.multi_reduction <maximumf>, %mul3A_255, %reduce_max3A_256 [1] : vector<128x128xf32> to vector<128xf32>
          %broadcast_in_dim3A_258 = vector.shape_cast %reduce_max3A_257 : vector<128xf32> to vector<128x1xf32>
          %max3A_259 = arith.maximumf %get3A_173, %broadcast_in_dim3A_258 : vector<128x1xf32>
          %sub3A_260 = arith.constant 1.000000e+00 : f32
          %sub3A_261 = vector.broadcast %sub3A_260 : f32 to vector<128x1xf32>
          %sub3A_262 = arith.subf %sub3A_261, %max3A_259 : vector<128x1xf32>
          %mul3A_263 = vector.broadcast %sub3A_262 : vector<128x1xf32> to vector<128x128xf32>
          %mul3A_264 = arith.mulf %mul3A_166, %mul3A_263 : vector<128x128xf32>
          %reduce_max3A_265 = arith.constant dense<0xFF800000> : vector<128xf32>
          %reduce_max3A_266 = vector.multi_reduction <maximumf>, %mul3A_264, %reduce_max3A_265 [0] : vector<128x128xf32> to vector<128xf32>
          %broadcast_in_dim3A_267 = vector.shape_cast %reduce_max3A_266 : vector<128xf32> to vector<1x128xf32>
          %max3A_268 = arith.maximumf %get3A_170, %broadcast_in_dim3A_267 : vector<1x128xf32>
          %ne3A = arith.cmpf one, %max3A_268, %while3A_247 : vector<1x128xf32>
          %reduce_or3A = arith.constant 1.000000e+00 : f32
          %reduce_or3A_269 = arith.constant 0.000000e+00 : f32
          %reduce_or3A_270 = vector.broadcast %reduce_or3A : f32 to vector<1x128xf32>
          %reduce_or3A_271 = vector.broadcast %reduce_or3A_269 : f32 to vector<1x128xf32>
          %reduce_or3A_272 = arith.select %ne3A, %reduce_or3A_270, %reduce_or3A_271 : vector<1x128xi1>, vector<1x128xf32>
          %reduce_or3A_273 = vector.shape_cast %reduce_or3A_272 : vector<1x128xf32> to vector<1x1x128xf32>
          %reduce_or3A_274 = arith.constant dense<0xFF800000> : vector<1xf32>
          %reduce_or3A_275 = vector.multi_reduction <maximumf>, %reduce_or3A_273, %reduce_or3A_274 [1, 2] : vector<1x1x128xf32> to vector<1xf32>
          %reduce_or3A_276 = vector.shape_cast %reduce_or3A_275 : vector<1xf32> to vector<1x1x1xf32>
          %reduce_or3A_277 = vector.extract %reduce_or3A_276[0, 0, 0] : f32 from vector<1x1x1xf32>
          %reduce_or3A_278 = arith.constant 0.000000e+00 : f32
          %reduce_or3A_279 = arith.cmpf ogt, %reduce_or3A_277, %reduce_or3A_278 : f32
          %ne3A_280 = arith.cmpf one, %max3A_259, %while3A_248 : vector<128x1xf32>
          %reduce_or3A_281 = arith.constant 1.000000e+00 : f32
          %reduce_or3A_282 = arith.constant 0.000000e+00 : f32
          %reduce_or3A_283 = vector.broadcast %reduce_or3A_281 : f32 to vector<128x1xf32>
          %reduce_or3A_284 = vector.broadcast %reduce_or3A_282 : f32 to vector<128x1xf32>
          %reduce_or3A_285 = arith.select %ne3A_280, %reduce_or3A_283, %reduce_or3A_284 : vector<128x1xi1>, vector<128x1xf32>
          %reduce_or3A_286 = vector.shape_cast %reduce_or3A_285 : vector<128x1xf32> to vector<1x128x1xf32>
          %reduce_or3A_287 = arith.constant dense<0xFF800000> : vector<1xf32>
          %reduce_or3A_288 = vector.multi_reduction <maximumf>, %reduce_or3A_286, %reduce_or3A_287 [1, 2] : vector<1x128x1xf32> to vector<1xf32>
          %reduce_or3A_289 = vector.shape_cast %reduce_or3A_288 : vector<1xf32> to vector<1x1x1xf32>
          %reduce_or3A_290 = vector.extract %reduce_or3A_289[0, 0, 0] : f32 from vector<1x1x1xf32>
          %reduce_or3A_291 = arith.constant 0.000000e+00 : f32
          %reduce_or3A_292 = arith.cmpf ogt, %reduce_or3A_290, %reduce_or3A_291 : f32
          %or3A = arith.ori %reduce_or3A_279, %reduce_or3A_292 : i1
          %add3A_293 = arith.constant 1 : i32
          %add3A_294 = arith.addi %while3A_249, %add3A_293 : i32
          scf.yield %max3A_268, %max3A_259, %add3A_294, %or3A : vector<1x128xf32>, vector<128x1xf32>, i32, i1
        }
        %sub3A_176 = arith.constant 1.000000e+00 : f32
        %sub3A_177 = vector.broadcast %sub3A_176 : f32 to vector<1x128xf32>
        %sub3A_178 = arith.subf %sub3A_177, %while3A_175#0 : vector<1x128xf32>
        %swap3A_179 = arith.constant 0 : index
        %swap3A_180 = arith.index_cast %multiple_of3A : i32 to index
        %swap3A_181 = vector.load %arg11[%swap3A_179, %swap3A_180] : memref<1x2048xf32, #tpu.memory_space<vmem>>, vector<1x128xf32>
        tpu.vector_store %arg11[%swap3A_179, %swap3A_180], %sub3A_178 {strides = array<i32>} : memref<1x2048xf32, #tpu.memory_space<vmem>>, vector<1x128xf32>,
        %sub3A_182 = arith.constant 1.000000e+00 : f32
        %sub3A_183 = vector.broadcast %sub3A_182 : f32 to vector<128x1xf32>
        %sub3A_184 = arith.subf %sub3A_183, %while3A_175#1 : vector<128x1xf32>
        %get3A_185 = arith.constant 0 : index
        %get3A_186 = arith.constant 0 : index
        %get3A_187 = vector.load %arg5[%get3A_185, %get3A_186] : memref<1x2048xf32, #tpu.memory_space<vmem>>, vector<1x2048xf32>
        %sub3A_188 = vector.broadcast %get3A_144 : vector<128x1xf32> to vector<128x2048xf32>
        %sub3A_189 = vector.broadcast %get3A_187 : vector<1x2048xf32> to vector<128x2048xf32>
        %sub3A_190 = arith.subf %sub3A_188, %sub3A_189 : vector<128x2048xf32>
        %integer_pow3A_191 = arith.mulf %sub3A_190, %sub3A_190 : vector<128x2048xf32>
        %get3A_192 = arith.constant 0 : index
        %get3A_193 = arith.constant 0 : index
        %get3A_194 = vector.load %arg6[%get3A_192, %get3A_193] : memref<1x2048xf32, #tpu.memory_space<vmem>>, vector<1x2048xf32>
        %sub3A_195 = vector.broadcast %get3A_147 : vector<128x1xf32> to vector<128x2048xf32>
        %sub3A_196 = vector.broadcast %get3A_194 : vector<1x2048xf32> to vector<128x2048xf32>
        %sub3A_197 = arith.subf %sub3A_195, %sub3A_196 : vector<128x2048xf32>
        %integer_pow3A_198 = arith.mulf %sub3A_197, %sub3A_197 : vector<128x2048xf32>
        %add3A_199 = arith.addf %integer_pow3A_191, %integer_pow3A_198 : vector<128x2048xf32>
        %lt3A_200 = arith.constant 1.000000e+00 : f32
        %lt3A_201 = vector.broadcast %lt3A_200 : f32 to vector<128x2048xf32>
        %lt3A_202 = arith.cmpf olt, %add3A_199, %lt3A_201 : vector<128x2048xf32>
        %convert_element_type3A_203 = arith.extui %lt3A_202 : vector<128x2048xi1> to vector<128x2048xi32>
        %convert_element_type3A_204 = arith.sitofp %convert_element_type3A_203 : vector<128x2048xi32> to vector<128x2048xf32>
        %mul3A_205 = vector.broadcast %sub3A_184 : vector<128x1xf32> to vector<128x2048xf32>
        %mul3A_206 = arith.mulf %convert_element_type3A_204, %mul3A_205 : vector<128x2048xf32>
        %reduce_max3A = arith.constant dense<0xFF800000> : vector<2048xf32>
        %reduce_max3A_207 = vector.multi_reduction <maximumf>, %mul3A_206, %reduce_max3A [0] : vector<128x2048xf32> to vector<2048xf32>
        %broadcast_in_dim3A_208 = vector.shape_cast %reduce_max3A_207 : vector<2048xf32> to vector<1x2048xf32>
        %get3A_209 = arith.constant 0 : index
        %get3A_210 = arith.constant 0 : index
        %get3A_211 = vector.load %arg9[%get3A_209, %get3A_210] : memref<1x2048xf32, #tpu.memory_space<vmem>>, vector<1x2048xf32>
        %max3A = arith.maximumf %get3A_211, %broadcast_in_dim3A_208 : vector<1x2048xf32>
        %swap3A_212 = arith.constant 0 : index
        %swap3A_213 = arith.constant 0 : index
        %swap3A_214 = vector.load %arg9[%swap3A_212, %swap3A_213] : memref<1x2048xf32, #tpu.memory_space<vmem>>, vector<1x2048xf32>
        tpu.vector_store %arg9[%swap3A_212, %swap3A_213], %max3A {strides = array<i32>} : memref<1x2048xf32, #tpu.memory_space<vmem>>, vector<1x2048xf32>,
        %get3A_215 = arith.constant 0 : index
        %get3A_216 = arith.constant 0 : index
        %get3A_217 = vector.load %arg7[%get3A_215, %get3A_216] : memref<2048x1xf32, #tpu.memory_space<vmem>>, vector<2048x1xf32>
        %sub3A_218 = vector.broadcast %get3A_217 : vector<2048x1xf32> to vector<2048x128xf32>
        %sub3A_219 = vector.broadcast %get3A_150 : vector<1x128xf32> to vector<2048x128xf32>
        %sub3A_220 = arith.subf %sub3A_218, %sub3A_219 : vector<2048x128xf32>
        %integer_pow3A_221 = arith.mulf %sub3A_220, %sub3A_220 : vector<2048x128xf32>
        %get3A_222 = arith.constant 0 : index
        %get3A_223 = arith.constant 0 : index
        %get3A_224 = vector.load %arg8[%get3A_222, %get3A_223] : memref<2048x1xf32, #tpu.memory_space<vmem>>, vector<2048x1xf32>
        %sub3A_225 = vector.broadcast %get3A_224 : vector<2048x1xf32> to vector<2048x128xf32>
        %sub3A_226 = vector.broadcast %get3A_153 : vector<1x128xf32> to vector<2048x128xf32>
        %sub3A_227 = arith.subf %sub3A_225, %sub3A_226 : vector<2048x128xf32>
        %integer_pow3A_228 = arith.mulf %sub3A_227, %sub3A_227 : vector<2048x128xf32>
        %add3A_229 = arith.addf %integer_pow3A_221, %integer_pow3A_228 : vector<2048x128xf32>
        %lt3A_230 = arith.constant 1.000000e+00 : f32
        %lt3A_231 = vector.broadcast %lt3A_230 : f32 to vector<2048x128xf32>
        %lt3A_232 = arith.cmpf olt, %add3A_229, %lt3A_231 : vector<2048x128xf32>
        %convert_element_type3A_233 = arith.extui %lt3A_232 : vector<2048x128xi1> to vector<2048x128xi32>
        %convert_element_type3A_234 = arith.sitofp %convert_element_type3A_233 : vector<2048x128xi32> to vector<2048x128xf32>
        %mul3A_235 = vector.broadcast %sub3A_178 : vector<1x128xf32> to vector<2048x128xf32>
        %mul3A_236 = arith.mulf %convert_element_type3A_234, %mul3A_235 : vector<2048x128xf32>
        %reduce_max3A_237 = arith.constant dense<0xFF800000> : vector<2048xf32>
        %reduce_max3A_238 = vector.multi_reduction <maximumf>, %mul3A_236, %reduce_max3A_237 [1] : vector<2048x128xf32> to vector<2048xf32>
        %broadcast_in_dim3A_239 = vector.shape_cast %reduce_max3A_238 : vector<2048xf32> to vector<2048x1xf32>
        %get3A_240 = arith.constant 0 : index
        %get3A_241 = arith.constant 0 : index
        %get3A_242 = vector.load %arg10[%get3A_240, %get3A_241] : memref<2048x1xf32, #tpu.memory_space<vmem>>, vector<2048x1xf32>
        %max3A_243 = arith.maximumf %get3A_242, %broadcast_in_dim3A_239 : vector<2048x1xf32>
        %swap3A_244 = arith.constant 0 : index
        %swap3A_245 = arith.constant 0 : index
        %swap3A_246 = vector.load %arg10[%swap3A_244, %swap3A_245] : memref<2048x1xf32, #tpu.memory_space<vmem>>, vector<2048x1xf32>
        tpu.vector_store %arg10[%swap3A_244, %swap3A_245], %max3A_243 {strides = array<i32>} : memref<2048x1xf32, #tpu.memory_space<vmem>>, vector<2048x1xf32>,
      } else {
      }
    }
    %scan3A_81 = arith.constant 16 : i32
    %get3A_82 = arith.constant 0 : index
    %get3A_83 = arith.constant 0 : index
    %get3A_84 = vector.load %arg11[%get3A_82, %get3A_83] : memref<1x2048xf32, #tpu.memory_space<vmem>>, vector<1x2048xf32>
    %iota3A_85 = tpu.iota {dimensions = array<i32: 0>} : vector<2048x2048xi32>
    %iota3A_86 = tpu.iota {dimensions = array<i32: 1>} : vector<2048x2048xi32>
    %lt3A_87 = arith.cmpi slt, %iota3A_85, %iota3A_86 : vector<2048x2048xi32>
    %convert_element_type3A_88 = arith.extui %lt3A_87 : vector<2048x2048xi1> to vector<2048x2048xi32>
    %convert_element_type3A_89 = arith.sitofp %convert_element_type3A_88 : vector<2048x2048xi32> to vector<2048x2048xf32>
    %dot_general3A = arith.constant dense<0.000000e+00> : vector<1x2048xf32>
    %dot_general3A_90 = tpu.matmul %get3A_84, %convert_element_type3A_89, %dot_general3A {dimension_numbers = #tpu.dot_dimension_numbers<[1], [0], [0], [1], [0, 0, 1, 1], [], []>, precision = #tpu.contract_precision<fp32>, transpose_lhs_hint = false} : vector<1x2048xf32>, vector<2048x2048xf32>, vector<1x2048xf32> -> vector<1x2048xf32>
    %iota3A_91 = tpu.iota {dimensions = array<i32: 0>} : vector<512x1xi32>
    %convert_element_type3A_92 = arith.sitofp %iota3A_91 : vector<512x1xi32> to vector<512x1xf32>
    %eq3A = vector.broadcast %dot_general3A_90 : vector<1x2048xf32> to vector<512x2048xf32>
    %eq3A_93 = vector.broadcast %convert_element_type3A_92 : vector<512x1xf32> to vector<512x2048xf32>
    %eq3A_94 = arith.cmpf oeq, %eq3A, %eq3A_93 : vector<512x2048xf32>
    %gt3A = arith.constant 5.000000e-01 : f32
    %gt3A_95 = vector.broadcast %gt3A : f32 to vector<1x2048xf32>
    %gt3A_96 = arith.cmpf ogt, %get3A_84, %gt3A_95 : vector<1x2048xf32>
    %and3A = vector.broadcast %gt3A_96 : vector<1x2048xi1> to vector<512x2048xi1>
    %and3A_97 = arith.andi %eq3A_94, %and3A : vector<512x2048xi1>
    %jit3A_98 = arith.constant 1.000000e+00 : f32
    %jit3A_99 = arith.constant 0.000000e+00 : f32
    %broadcast_in_dim3A_100 = vector.broadcast %jit3A_98 : f32 to vector<512x2048xf32>
    %broadcast_in_dim3A_101 = vector.broadcast %jit3A_99 : f32 to vector<512x2048xf32>
    %select_n3A_102 = arith.select %and3A_97, %broadcast_in_dim3A_100, %broadcast_in_dim3A_101 : vector<512x2048xi1>, vector<512x2048xf32>
    %get3A_103 = arith.constant 0 : index
    %get3A_104 = arith.constant 0 : index
    %get3A_105 = vector.load %arg2[%get3A_103, %get3A_104] : memref<2048x4xf32, #tpu.memory_space<vmem>>, vector<2048x4xf32>
    %get3A_106 = arith.constant 0 : index
    %get3A_107 = arith.constant 0 : index
    %get3A_108 = vector.load %arg1[%get3A_106, %get3A_107] : memref<2048x1xf32, #tpu.memory_space<vmem>>, vector<2048x1xf32>
    %concatenate3A = tpu.concatenate %get3A_105, %get3A_108 in 1 : vector<2048x4xf32>, vector<2048x1xf32> -> vector<2048x5xf32>
    %dot_general3A_109 = arith.constant dense<0.000000e+00> : vector<512x5xf32>
    %dot_general3A_110 = tpu.matmul %select_n3A_102, %concatenate3A, %dot_general3A_109 {dimension_numbers = #tpu.dot_dimension_numbers<[1], [0], [0], [1], [0, 0, 1, 1], [], []>, precision = #tpu.contract_precision<fp32>, transpose_lhs_hint = false} : vector<512x2048xf32>, vector<2048x5xf32>, vector<512x5xf32> -> vector<512x5xf32>
    %reduce_sum3A = vector.shape_cast %get3A_84 : vector<1x2048xf32> to vector<1x1x2048xf32>
    %reduce_sum3A_111 = arith.constant dense<0.000000e+00> : vector<1xf32>
    %reduce_sum3A_112 = vector.multi_reduction <add>, %reduce_sum3A, %reduce_sum3A_111 [1, 2] : vector<1x1x2048xf32> to vector<1xf32>
    %reduce_sum3A_113 = vector.shape_cast %reduce_sum3A_112 : vector<1xf32> to vector<1x1x1xf32>
    %reduce_sum3A_114 = vector.extract %reduce_sum3A_113[0, 0, 0] : f32 from vector<1x1x1xf32>
    %slice3A = vector.extract_strided_slice %dot_general3A_110 {offsets = [0, 0], sizes = [1, 5], strides = [1, 1]} : vector<512x5xf32> to vector<1x5xf32>
    %ge3A_115 = vector.broadcast %reduce_sum3A_114 : f32 to vector<512x1xf32>
    %ge3A_116 = arith.cmpf oge, %convert_element_type3A_92, %ge3A_115 : vector<512x1xf32>
    %convert_element_type3A_117 = arith.extui %ge3A_116 : vector<512x1xi1> to vector<512x1xi32>
    %convert_element_type3A_118 = arith.sitofp %convert_element_type3A_117 : vector<512x1xi32> to vector<512x1xf32>
    %mul3A_119 = vector.broadcast %convert_element_type3A_118 : vector<512x1xf32> to vector<512x5xf32>
    %mul3A_120 = vector.broadcast %slice3A : vector<1x5xf32> to vector<512x5xf32>
    %mul3A_121 = arith.mulf %mul3A_119, %mul3A_120 : vector<512x5xf32>
    %add3A_122 = arith.addf %dot_general3A_110, %mul3A_121 : vector<512x5xf32>
    %slice3A_123 = vector.extract_strided_slice %add3A_122 {offsets = [0, 0], sizes = [500, 5], strides = [1, 1]} : vector<512x5xf32> to vector<500x5xf32>
    %swap3A_124 = arith.constant 0 : index
    %swap3A_125 = arith.constant 0 : index
    %swap3A_126 = vector.load %arg4[%swap3A_124, %swap3A_125] : memref<500x5xf32, #tpu.memory_space<vmem>>, vector<500x5xf32>
    tpu.vector_store %arg4[%swap3A_124, %swap3A_125], %slice3A_123 {strides = array<i32>} : memref<500x5xf32, #tpu.memory_space<vmem>>, vector<500x5xf32>,
    return
  }
}

</mosaic_0001>

<sc_bundles>
// kernel: gather_offload_async_start
scs
__scs_entry_jumppad:
0x0: {  	(pc) =	sbr.rel $0x88, $3  }
0x1: {  	(tag) =	ssettag $0x0;
	lr =	simm.s32 $0x1  }
0x2: {  	[smem:$0x3F9F] =	sst lr;
	_ =	strace $0xD0000000  }
0x3: {  	_ = 	snop  }
0x4: {  	_ = 	snop  }
0x5: {  	_ = 	snop  }
0x6: {  	_ = 	snop  }
0x7: {  	_ = 	snop  }
__scs_overlays_trampoline_lowered:
0x8: {  	[smem:$0x3FAE] =	sst s0  }
0x9: {  	[smem:$0x3FAF] =	sst s1  }
0xa: {  	[smem:$0x3FB0] =	sst s2  }
0xb: {  	[smem:$0x3FB1] =	sst s3  }
0xc: {  	[smem:$0x3FB2] =	sst s4  }
0xd: {  	[smem:$0x3FB3] =	sst s5  }
0xe: {  	[smem:$0x3FB4] =	sst s6  }
0xf: {  	[smem:$0x3FB5] =	sst s7  }
0x10: {  	[smem:$0x3FB6] =	sst s8  }
0x11: {  	[smem:$0x3FB7] =	sst s9;
	s0 =	simm.s32 @!p0 $0x0  }
0x12: {  	s1 =	sld [smem:$0x3F9D];
	s0 =	simm.s32 @p0 $0x1  }
0x13: {  	[smem:$0x3FB8] =	sst s0;
	s0 =	simm.s32 @!p1 $0x0  }
0x14: {  	s2 =	sld [smem:$0x3F9C];
	s0 =	simm.s32 @p1 $0x1  }
0x15: {  	[smem:$0x3FB9] =	sst s0;
	s0 =	simm.s32 @!p2 $0x0  }
0x16: {  	s3 =	sld [smem:$0x3FDB];
	s0 =	simm.s32 @p2 $0x1  }
0x17: {  	s4 =	simm.s32 $0x1BF5;
	[smem:$0x3FBB] =	sst s0  }
0x18: {  	s0 =	sld [smem:$0x3F9E];
	_ =	swait.ge [sflag:s4], $0x0  }
0x19: {  	s7 =	sld [smem:$0x3F9F]  }
0x1a: {  	s8 =	sadd.s32 $0xFFFFE003, lr  }
0x1b: {  	s9 =	sadd.s32 $0xFFFFFEF7, lr;
	s5 =	simm.s32 $0xFFFFFFFF;
	p2 =	slt.u32 s8, $0xFFFFF086  }
0x1c: {  	p1 =	slt.u32 s9, $0xF7A;
	s5 =	simm.s32 @!p2 $0x0  }
0x1d: {  	s5 =	simm.s32 @p1 $0x1;
	p0 =	seq.s32 s7, s2  }
0x1e: {  	s7 =	smul.u32 @!p0 $0xF7A, s2;
	p2 =	seq.s32 @!p0 s5, $0x0  }
0x1f: {  	s9 =	smul.u32 $0xF7A, s1;
	s8 =	simm.s32 @!p0 $0x1BF5;
	p2 =	por !p2, p0  }
0x20: {  	[sflag:s8] =	ssyncset.s32 @!p0 $0xFFFFF086;
	s6 =	sadd.s32 @!p0 s3, s7;
	s7 =	simm.s32 @!p0 $0x108  }
0x21: {  	s3 =	sadd.s32 s3, s9;
	s6 =	sadd.s32 @!p0 $0x88, s6;
	s7 =	simm.s32 @p2 $0x1082  }
0x22: {  	[simem:s7], [sflag:s8] =	dma.local @!p0 [hbm:s6], $0xF7A  }
0x23: {  	s9 =	sor.u32 $0xD0000000, s2;
	s6 =	simm.s32 $0x108;
	_ =	swait.ge @!p0 [sflag:s8], $0x0  }
0x24: {  	s3 =	sadd.s32 $0x88, s3;
	s6 =	simm.s32 @!p1 $0x1082;
	[sflag:s4] =	ssyncset.s32 $0xFFFFF086  }
0x25: {  	[simem:s6], [sflag:s4] =	dma.local [hbm:s3], $0xF7A  }
0x26: {  	[smem:$0x3F9F] =	sst s1;
	(tag) =	ssettag s2;
	_ =	strace s9  }
0x27: {  	s1 =	sld [smem:$0x3FAF]  }
0x28: {  	s2 =	sld [smem:$0x3FB0]  }
0x29: {  	s4 =	sld [smem:$0x3FB2]  }
0x2a: {  	p0 =	seq.s32 s5, $0x0;
	s5 =	sld [smem:$0x3FB3]  }
0x2b: {  	s6 =	sld [smem:$0x3FB4]  }
0x2c: {  	s7 =	sld [smem:$0x3FB5]  }
0x2d: {  	s3 =	simm.s32 $0x108;
	s8 =	sld [smem:$0x3FB6]  }
0x2e: {  	s3 =	simm.s32 @!p0 $0x1082;
	s9 =	sld [smem:$0x3FB7]  }
0x2f: {  	lr =	sadd.s32 s0, s3;
	s0 =	sld [smem:$0x3FAE]  }
0x30: {  	s3 =	sld [smem:$0x3FB1]  }
0x31: {  	[smem:$0x3FBA] =	sst s10  }
0x32: {  	s10 =	sld [smem:$0x3FB8];
	_ =	sdelay $0x3  }
0x33: {  	p0 =	seq.s32 s10, $0x1;
	s10 =	sld [smem:$0x3FBA];
	_ =	sdelay $0x3  }
0x34: {  	[smem:$0x3FBA] =	sst s10  }
0x35: {  	s10 =	sld [smem:$0x3FB9];
	_ =	sdelay $0x3  }
0x36: {  	p1 =	seq.s32 s10, $0x1;
	s10 =	sld [smem:$0x3FBA];
	_ =	sdelay $0x3  }
0x37: {  	[smem:$0x3FBA] =	sst s10  }
0x38: {  	s10 =	sld [smem:$0x3FBB]  }
0x39: {  	_ = 	snop;
	(pc) =	sbr.ind lr, $3  }
0x3a: {  	_ = 	snop  }
0x3b: {  	_ = 	snop  }
0x3c: {  	p2 =	seq.s32 s10, $0x1;
	s10 =	sld [smem:$0x3FBA]  }
0x3d: {  	_ =	shalt  }
0x3e: {  	_ =	shalt  }
0x3f: {  	_ =	shalt  }
0x40: {  	_ =	shalt  }
0x41: {  	_ =	shalt  }
0x42: {  	_ =	shalt  }
0x43: {  	_ =	shalt  }
0x44: {  	_ =	shalt  }
0x45: {  	_ =	shalt  }
0x46: {  	_ =	shalt  }
0x47: {  	_ =	shalt  }
0x48: {  	_ =	shalt  }
0x49: {  	_ =	shalt  }
0x4a: {  	_ =	shalt  }
0x4b: {  	_ =	shalt  }
0x4c: {  	_ =	shalt  }
0x4d: {  	_ =	shalt  }
0x4e: {  	_ =	shalt  }
0x4f: {  	_ =	shalt  }
0x50: {  	_ =	shalt  }
0x51: {  	_ =	shalt  }
0x52: {  	_ =	shalt  }
0x53: {  	_ =	shalt  }
0x54: {  	_ =	shalt  }
0x55: {  	_ =	shalt  }
0x56: {  	_ =	shalt  }
0x57: {  	_ =	shalt  }
0x58: {  	_ =	shalt  }
0x59: {  	_ =	shalt  }
0x5a: {  	_ =	shalt  }
0x5b: {  	_ =	shalt  }
0x5c: {  	_ =	shalt  }
0x5d: {  	_ =	shalt  }
0x5e: {  	_ =	shalt  }
0x5f: {  	_ =	shalt  }
0x60: {  	_ =	shalt  }
0x61: {  	_ =	shalt  }
0x62: {  	_ =	shalt  }
0x63: {  	_ =	shalt  }
0x64: {  	_ =	shalt  }
0x65: {  	_ =	shalt  }
0x66: {  	_ =	shalt  }
0x67: {  	_ =	shalt  }
0x68: {  	_ =	shalt  }
0x69: {  	_ =	shalt  }
0x6a: {  	_ =	shalt  }
0x6b: {  	_ =	shalt  }
0x6c: {  	_ =	shalt  }
0x6d: {  	_ =	shalt  }
0x6e: {  	_ =	shalt  }
0x6f: {  	_ =	shalt  }
0x70: {  	_ =	shalt  }
0x71: {  	_ =	shalt  }
0x72: {  	_ =	shalt  }
0x73: {  	_ =	shalt  }
0x74: {  	_ =	shalt  }
0x75: {  	_ =	shalt  }
0x76: {  	_ =	shalt  }
0x77: {  	_ =	shalt  }
0x78: {  	_ =	shalt  }
0x79: {  	_ =	shalt  }
0x7a: {  	_ =	shalt  }
0x7b: {  	_ =	shalt  }
0x7c: {  	_ =	shalt  }
0x7d: {  	_ =	shalt  }
0x7e: {  	_ =	shalt  }
0x7f: {  	_ =	shalt  }
0x80: {  	_ =	shalt  }
0x81: {  	_ =	shalt  }
0x82: {  	_ =	shalt  }
0x83: {  	_ =	shalt  }
0x84: {  	_ =	shalt  }
0x85: {  	_ =	shalt  }
0x86: {  	_ =	shalt  }
0x87: {  	_ =	shalt  }
.Lfunc_end0:
.L_simem_size_0:
called_computation_lowered:
.L_overlay_start_0:
0x88: {  	s0 =	sld [smem:$0x3FD9]  }
0x89: {  	s1 =	sld [smem:$0x3FFE];
	_ =	sdelay $0x3  }
0x8a: {  	s0 =	sadd.s32 s1, s0  }
0x8b: {  	[smem:$0x3FC6] =	sst s0  }
0x8c: {  	_ = 	snop  }
0x8d: {  	s0 =	sld [smem:$0x3FD0];
	(tm) =	ssettm $0x1  }
0x8e: {  	s16 =	sld [smem:$0x3FFB];
	_ =	sdelay $0x3  }
0x8f: {  	_ =	strace s16  }
0x90: {  	s1 =	sld [smem:$0x3FFC];
	_ =	sdelay $0x3  }
0x91: {  	_ =	strace s1  }
0x92: {  	s1 =	sld [smem:$0x3FFD];
	_ =	sdelay $0x3  }
0x93: {  	_ =	strace s1  }
0x94: {  	_ =	strace $0x8FFFFFFF  }
0x95: {  	s17 =	sld [smem:$0x3FDB];
	_ =	sdelay $0x1  }
0x96: {  	s2 =	simm.s32 $_scs_section_size  }
0x97: {  	s3 =	simm.s32 $_size__tile_overlayer_lowered;
	s4 =	simm.s32 $_tile_overlayer_lowered  }
0x98: {  	s20 =	simm.s32 $0x1BFF;
	s19 =	sshll.u32 s4, $0x1;
	s1 =	sadd.s32 s2, s17  }
0x99: {  	s5 =	simm.s32 $0x0;
	s18 =	sshll.u32 s3, $0x1;
	s3 =	sadd.s32 s19, s1  }
0x9a: {  	[timem:s5], [sflag:s20] =	dma.local [hbm:s3], s18  }
0x9b: {  	_ =	swait.ge [sflag:s20], s18  }
0x9c: {  	s2 =	ssub.s32 $0x0, s18;
	[sflag:s20] =	ssyncset.done $0x0  }
0x9d: {  	[sflag:s20] =	ssyncadd.s32 s2;
	_ =	sdelay $0x1  }
0x9e: {  	s21 =	simm.s32 $0x1B8B  }
0x9f: {  	_ =	swait.ge [sflag:s21], $0x1  }
0xa0: {  	[sflag:s21] =	ssyncset.done $0x0  }
0xa1: {  	s23 =	simm.s32 $0x1B8E;
	s22 =	sld [smem:$0x3FFE];
	[sflag:s21] =	ssyncadd.s32 $0xFFFFFFFF  }
0xa2: {  	s24 =	simm.s32 $execute0_lowered;
	[smem:$0x3FD2] =	sst s23  }
0xa3: {  	s3 =	sshll.u32 s24, $0x1;
	_ =	strace $0x80000046;
	[dreg:$0x1] =	wrdreg $0xFFFFFFFF  }
0xa4: {  	s25 =	simm.s32 $_size_execute0_lowered;
	s1 =	sadd.s32 s1, s3;
	[dreg:$0x0] =	wrdreg $0x0  }
0xa5: {  	s3 =	sshll.u32 s25, $0x1;
	[dreg:$0x2] =	wrdreg s1  }
0xa6: {  	[dreg:$0x3] =	wrdreg s3  }
0xa7: {  	[dreg:$0x4] =	wrdreg $0xC0  }
0xa8: {  	_ =	task [dreg:s5], $0x5FFFF  }
0xa9: {  	[dreg:$0x1] =	wrdreg $0xFFFFFFFF  }
0xaa: {  	[dreg:$0x0] =	wrdreg $0x60  }
0xab: {  	[dreg:$0x2] =	wrdreg s22  }
0xac: {  	[dreg:$0x3] =	wrdreg s0  }
0xad: {  	[dreg:$0x4] =	wrdreg $0x9  }
0xae: {  	_ =	task.clear_ibuf [dreg:s5], $0x5FFFF;
	_ =	strace $0x90000046  }
0xaf: {  	s26 =	simm.s32 $0x9;
	_ =	strace $0x80000048  }
0xb0: {  	_ =	swait.ge [sflag:s26], $0x1  }
0xb1: {  	[sflag:s26] =	ssyncadd.s32 $0xFFFFFFFF  }
0xb2: {  	_ =	strace $0x90000048  }
0xb3: {  	_ =	sfence  }
0xb4: {  	s28 =	sld [smem:$0x0];
	_ =	sdelay $0x1  }
0xb5: {  	s29 =	srdreg.scid  }
0xb6: {  	s30 =	sshll.u32 s29, $0xD;
	s31 =	sshrl.u32 s29, $0x2  }
0xb7: {  	s2 =	sand.u32 $0x4000, s30;
	s1 =	sand.u32 $0x1, s29;
	s0 =	sadd.s32 s31, s28  }
0xb8: {  	s1 =	sor.u32 s2, s1;
	s0 =	sshll.u32 s0, $0x11  }
0xb9: {  	s0 =	sor.u32 s0, s1  }
0xba: {  	s0 =	sadd.s32 $0x8F2B, s0  }
0xbb: {  	[sflag:s0] =	ssyncadd.remote.s32 $0x1  }
0xbc: {  	_ =	sfence.sel $0xFFFF  }
0xbd: {  	[dreg:$0x0] =	wrdreg $0xFFFFFFFF;
	(pc) =	sbr.abs _section_cstart, $3  }
0xbe: {  	[dreg:$0x1] =	wrdreg $0xFFFFFFFF  }
0xbf: {  	_ =	task.clear_ibuf [dreg:s5], $0x2FFFF;
	_ =	strace $0x9FFFFFFF  }
0xc0: {  	(tm) =	ssettm $0x7FFFFFFF  }
0xc1: {  	_ =	shalt  }
tec
execute0_lowered:
.L_overlay_start_1:
0x0: {  	(tag) =	ssettag $0x1  }
0x1: {  	s0 =	stileid.u32  }
0x2: {  	s1 =	smin.u32 s0, $0x9  }
0x3: {  	s1 =	sadd.s32 s0, s1  }
0x4: {  	s2 =	simm.s32 $0xA0;
	p0 =	slt.u32 s0, $0x9;
	s1 =	smul.u32 $0x50, s1  }
0x5: {  	s2 =	simm.s32 @!p0 $0x50  }
0x6: {  	s2 =	sadd.s32 s2, s1  }
0x7: {  	s3 =	smin.u32 s2, $0x7D0  }
0x8: {  	s7 =	ssub.s32 s3, s1  }
0x9: {  	p0 =	sgt.s32 s7, $0x0  }
0xa: {  	s7 =	simm.s32 @!p0 $0x0  }
0xb: {  	s4 =	rddreg [dreg:$0x0];
	s31 =	smul.u32 $0xCCCD, s7  }
0xc: {  	s5 =	rddreg [dreg:$0x1]  }
0xd: {  	s6 =	simm.s32 $0x1;
	s10 =	simm.s32 $0x3;
	s8 =	sshrl.u32 s31, $0x16  }
0xe: {  	s13 =	simm.s32 $0x0;
	s12 =	simm.s32 $0x0;
	s9 =	smul.u32 $0x50, s8  }
.Ltmp0:
0xf: {  	s11 =	smov.u32 s1;
	s2 =	rddreg [dreg:$0x2];
	(pc) =	sbr.rel .LBB2_1-.Ltmp0, $4  }
0x10: {  	_ =	strace $0x80000047;
	p0 =	sne.s32 s7, s9;
	s9 =	simm.s32 $0x1  }
0x11: {  	[sflag:s6] =	ssyncpa.u1 $0x0;
	s7 =	simm.s32 $0x2;
	s9 =	simm.s32 @!p0 $0x0  }
0x12: {  	[sflag:s7] =	ssyncpa.u1 $0x0;
	p0 =	por $0x0, $0x0;
	s8 =	sadd.s32 s8, s9  }
0x13: {  	vm0 =	vmmov $0xff;
	vm1 =	vcmask $0x3F20;
	s9 =	sadd.s32 $0x4E200, s4;
	[sflag:s10] =	ssyncpa.u1 $0x0;
	s10 =	sadd.s32 $0x1, s8  }
.LBB2_6:
0x14: {  	[hbm:s17] =	stream.linear.scatter [tilespmem:s14], [sflag:$0x3], $0x400, $0x38;
	[tilespmem:$0x50A0] =	vst v63  }
.LBB2_7:
0x15: {  	s13 =	sadd.s32 $0x50, s11  }
0x16: {  	s15 =	smov.u32 s1;
	p2 =	slt.s32 s13, s3  }
0x17: {  	s15 =	smov.u32 @p2 s13;
	p2 =	sne.s32 s12, s10  }
.Ltmp1:
0x18: {  	p1 =	slt.u32 s12, $0x2;
	(pc) =	sbr.rel @!p2 .LBB2_8-.Ltmp1, $4  }
0x19: {  	s14 =	simm.s32 @!p1 $0x3  }
0x1a: {  	s16 =	sadd.s32 $0x1, s12;
	_ =	swait.ge @!p1 [sflag:s14], $0x2800  }
0x1b: {  	p0 =	por !p0, !p0;
	s13 =	smov.u32 s11;
	[sflag:s14] =	ssyncset.done @!p1 $0x0  }
0x1c: {  	s12 =	smov.u32 s16;
	s11 =	smov.u32 s15;
	[sflag:s14] =	ssyncadd.s32 @!p1 $0xFFFFD800  }
.LBB2_1:
0x1d: {  	p1 =	sge.u32 s12, s8  }
0x1e: {  	s14 =	sxor.u32 @!p1 $0xFFFFFFFF, s12  }
0x1f: {  	s14 =	sand.u32 @!p1 $0x1, s14  }
0x20: {  	s14 =	smul.u32 @!p1 $0x140, s14  }
0x21: {  	s31 =	sadd.s32 $0xFFFFFFFF, s12;
	s15 =	sshrl.u32 @!p1 s11, $0x3  }
0x22: {  	s16 =	sand.u32 @!p1 $0x7, s11;
	s15 =	sadd.s32 @!p1 s5, s15;
	s14 =	sshrl.u32 @!p1 s14, $0x2  }
0x23: {  	[tilespmem:s14], [sflag:$0x2] =	stream.linear.gather @!p1 [hbm4b:s15+s16], $0x50, $0x38;
	[tilespmem:$0x50A0] =	vst v63  }
0x24: {  	p1 =	sge.u32 s31, s8  }
.Ltmp2:
0x25: {  	_ = 	snop;
	(pc) =	sbr.rel @p1 .LBB2_7-.Ltmp2, $1  }
0x26: {  	_ =	sdelay $0x3  }
0x27: {  	s14 =	simm.s32 $0x1  }
0x28: {  	s14 =	simm.s32 @!p0 $0x0  }
0x29: {  	s15 =	smul.u32 $0x140, s14  }
0x2a: {  	_ =	swait.ge [sflag:s7], $0x50  }
0x2b: {  	[sflag:s7] =	ssyncset.done $0x0;
	s16 =	sshrl.u32 s15, $0x2  }
0x2c: {  	[sflag:s7] =	ssyncadd.s32 $0xFFFFFFB0;
	s15 =	sadd.s32 $0x0, s16  }
0x2d: {  	v0 =	vld.msk [tilespmem:s15+$0x0 ss:$0x1], $0xffff;
	_ =	sdelay $0x4  }
0x2e: {  	vm2 =	vgt.s32 v0, $0x0  }
0x2f: {  	v0 =	vnsel vm2, $0x0, v0  }
0x30: {  	v0 =	vmin.u32 v0, $0x4E1F  }
0x31: {  	v0 =	vshll.u32 v0, $0x4  }
0x32: {  	s14 =	smul.u32 $0xA000, s14;
	_ =	sdelay $0x1  }
0x33: {  	s14 =	sshrl.u32 s14, $0x2  }
0x34: {  	s14 =	sor.u32 $0xA0, s14  }
0x35: {  	[tilespmem:s14], [sflag:$0x1] =	stream.indirect_vreg.gather [hbm:s4], $0x80, v0, vm0, $0x38;
	[tilespmem:$0x50A0] =	vst v63  }
0x36: {  	s17 =	sadd.s32 $0x10, s16;
	s15 =	sadd.s32 $0x400, s14  }
0x37: {  	[tilespmem:s15], [sflag:$0x1] =	stream.indirect_vreg.gather [hbm:s4], $0x80, v0, vm1, $0x38;
	[tilespmem:$0x50A0] =	vst v63  }
0x38: {  	s18 =	simm.s32 $0x80;
	v0 =	vld.msk [tilespmem:s17+$0x0 ss:$0x1], $0xffff;
	s17 =	smov.u32 s14  }
.LBB2_3:
0x39: {  	p1 =	sne.s32 s18, $0x100;
	_ =	sdelay $0x4  }
0x3a: {  	vm2 =	vgt.s32 v0, $0x0  }
0x3b: {  	v0 =	vnsel vm2, $0x0, v0  }
0x3c: {  	v0 =	vmin.u32 v0, $0x4E1F  }
0x3d: {  	v0 =	vshll.u32 v0, $0x4;
	_ =	sdelay $0x3  }
.Ltmp3:
0x3e: {  	s19 =	sshra.s32 s18, $0x2;
	s17 =	sadd.s32 $0x800, s17;
	(pc) =	sbr.rel @p1 .LBB2_3-.Ltmp3, $4  }
0x3f: {  	[tilespmem:s17], [sflag:$0x1] =	stream.indirect_vreg.gather [hbm:s4], $0x80, v0, vm0, $0x38;
	[tilespmem:$0x50A0] =	vst v63  }
0x40: {  	s19 =	sadd.s32 s19, s16;
	s20 =	sadd.s32 $0x400, s17  }
0x41: {  	[tilespmem:s20], [sflag:$0x1] =	stream.indirect_vreg.gather [hbm:s4], $0x80, v0, vm1, $0x38;
	[tilespmem:$0x50A0] =	vst v63  }
0x42: {  	s18 =	sadd.s32 $0x40, s18;
	v0 =	vld.msk [tilespmem:s19+$0x0 ss:$0x1], $0xffff  }
0x43: {  	_ =	sdelay $0x3  }
0x44: {  	vm2 =	vgt.s32 v0, $0x0  }
0x45: {  	v0 =	vnsel vm2, $0x0, v0  }
0x46: {  	v0 =	vmin.u32 v0, $0x4E1F  }
0x47: {  	v0 =	vshll.u32 v0, $0x4;
	_ =	sdelay $0x3  }
0x48: {  	s16 =	sadd.s32 $0x800, s17  }
0x49: {  	[tilespmem:s16], [sflag:$0x1] =	stream.indirect_vreg.gather [hbm:s4], $0x80, v0, vm0, $0x38;
	[tilespmem:$0x50A0] =	vst v63  }
0x4a: {  	s16 =	sadd.s32 $0x400, s16  }
0x4b: {  	[tilespmem:s16], [sflag:$0x1] =	stream.indirect_vreg.gather [hbm:s4], $0x80, v0, vm1, $0x38;
	[tilespmem:$0x50A0] =	vst v63  }
0x4c: {  	s13 =	sshll.u32 s13, $0x4;
	_ =	swait.ge [sflag:s6], $0x2800  }
0x4d: {  	s13 =	sadd.s32 s13, s9;
	[sflag:s6] =	ssyncset.done $0x0  }
0x4e: {  	s17 =	sadd.s32 $0x0, s13;
	s16 =	simm.s32 $0x80;
	[sflag:s6] =	ssyncadd.s32 $0xFFFFD800  }
.LBB2_5:
0x4f: {  	[hbm:s17] =	stream.linear.scatter [tilespmem:s14], [sflag:$0x3], $0x400, $0x38;
	[tilespmem:$0x50A0] =	vst v63  }
0x50: {  	s17 =	smov.u32 s16;
	s14 =	smov.u32 s15;
	p1 =	sne.s32 s16, $0x480  }
.Ltmp4:
0x51: {  	s16 =	sadd.s32 $0x80, s16;
	(pc) =	sbr.rel @p1 .LBB2_5-.Ltmp4, $2  }
0x52: {  	_ =	sdelay $0x2  }
0x53: {  	s15 =	sadd.s32 $0x400, s15;
	s17 =	sadd.s32 s17, s13  }
.Ltmp5:
0x54: {  	_ = 	snop;
	(pc) =	sbr.rel .LBB2_6-.Ltmp5, $1  }
0x55: {  	_ =	sdelay $0x3  }
.LBB2_8:
0x56: {  	_ =	sfence.sel $0x180000  }
0x57: {  	s1 =	simm.s32 $0x2;
	[bflag:$0x0] =	sbarrier.arrive $0xFFFF  }
0x58: {  	s30 =	simm.s32 $0x3;
	[sflag:s1] =	ssyncpa.u1 $0x1  }
0x59: {  	s31 =	simm.s32 $0x1;
	[sflag:s30] =	ssyncpa.u1 $0x1  }
0x5a: {  	[sflag:s31] =	ssyncpa.u1 $0x1  }
0x5b: {  	p0 =	sne.s32 s0, $0x0;
	_ =	strace $0x90000047  }
0x5c: {  	s0 =	sadd.s32 @!p0 $0x100000, s2;
	[bflag:$0x2] =	sbarrier.arrive $0xFFFF  }
0x5d: {  	[sflag:s0] =	ssyncadd.tile.s32 @!p0 $0x1;
	_ =	shalt  }
.Lfunc_end2:
_tile_overlayer_lowered:
.L_overlay_start_2:
0x5e: {  	(tag) =	ssettag $0x2  }
0x5f: {  	s0 =	rddreg [dreg:$0x0];
	s2 =	stileid.u32  }
0x60: {  	s1 =	rddreg [dreg:$0x1];
	p0 =	sne.s32 s2, $0x0  }
0x61: {  	s3 =	rddreg [dreg:$0x2];
	[bflag:$0x3] =	sbarrier.arrive $0xFFFF;
	s2 =	simm.s32 @!p0 $0x1C01  }
0x62: {  	[timem:s3], [sflag:s2] =	dma.local @!p0 [hbm:s0], s1  }
0x63: {  	s0 =	simm.s32 @!p0 $0x1  }
0x64: {  	_ =	swait.ge @!p0 [sflag:s0], s1  }
0x65: {  	s1 =	ssub.s32 @!p0 $0x0, s1;
	[sflag:s0] =	ssyncset.done @!p0 $0x0  }
0x66: {  	[sflag:s0] =	ssyncadd.s32 @!p0 s1  }
0x67: {  	[bflag:$0x3] =	sbarrier.arrive $0xFFFF  }
0x68: {  	_ =	shalt  }

</sc_bundles>
